<compile_context>
chip_gen: v7x
topology: tpu7x:2x2x1
jax: 0.10.2.dev20260603
libtpu: 0.0.44.dev20260713+nightly
codegen_flags: <defaults>
</compile_context>

<pallas_src>
import numpy as np
import jax
import jax.numpy as jnp
from jax import lax
from jax.experimental import pallas as pl
from jax.experimental.pallas import tpu as pltpu
from jax.experimental.pallas import tpu_sc as plsc

BATCH = 16
SEQ = 2048
DATA = BATCH * SEQ

THRESH_S2_MIN = float(np.float32((2.0 * np.sin(np.radians(10.0 / 3600.0) / 2.0)) ** 2))

NW = 16
L = 16
EPW = DATA // NW
CHUNKS = EPW // L


def _body(up, uo, ts, lr, out, pred_v, obs_v, ts_v, lr_v, th_v, ov_v,
          sem_a, sem_b):
    wid = lax.axis_index("s")
    base_e = wid * EPW

    cp_a = pltpu.async_copy(up.at[:, pl.ds(base_e, EPW)], pred_v, sem_a)
    cp_b = pltpu.async_copy(uo.at[:, pl.ds(base_e, EPW)], obs_v, sem_b)
    pltpu.sync_copy(ts, ts_v)
    pltpu.sync_copy(lr, lr_v)

    th_all = THRESH_S2_MIN * jnp.exp(ts_v[...] * lr_v[...])
    th_v[...] = th_all
    bidx = jnp.full((L,), base_e // SEQ, dtype=jnp.int32)
    th = plsc.load_gather(th_v, [bidx])
    rth = 1.0 / th
    cp_a.wait()
    cp_b.wait()

    zero = jnp.zeros((L,), jnp.float32)

    @plsc.parallel_loop(0, CHUNKS, unroll=2)
    def step(jj):
        sl = pl.ds(jj * L, L)
        dx = pred_v[0, sl] - obs_v[0, sl]
        dy = pred_v[1, sl] - obs_v[1, sl]
        dz = pred_v[2, sl] - obs_v[2, sl]
        s2 = dx * dx + dy * dy + dz * dz
        close = s2 < th
        ov_v[0, sl] = jnp.where(close, s2, zero)
        ov_v[1, sl] = jnp.where(close, s2 * rth, zero)

    pltpu.sync_copy(ov_v, out.at[:, pl.ds(base_e, EPW)])


_sc_call = pl.kernel(
    _body,
    out_type=jax.ShapeDtypeStruct((2, DATA), jnp.float32),
    mesh=plsc.VectorSubcoreMesh(core_axis_name="c", subcore_axis_name="s",
                                num_cores=1),
    compiler_params=pltpu.CompilerParams(
        needs_layout_passes=False,
        skip_device_barrier=True,
        disable_bounds_checks=True,
        disable_semaphore_checks=True,
    ),
    scratch_types=[
        pltpu.VMEM((3, EPW), jnp.float32),
        pltpu.VMEM((3, EPW), jnp.float32),
        pltpu.VMEM((L,), jnp.float32),
        pltpu.VMEM((L,), jnp.float32),
        pltpu.VMEM((L,), jnp.float32),
        pltpu.VMEM((2, EPW), jnp.float32),
        pltpu.SemaphoreType.DMA,
        pltpu.SemaphoreType.DMA,
    ],
)


def kernel(u_pred, u_obs, thresh_s2_, log_thresh_s2_range, row_lengths):
    del row_lengths
    return _sc_call(
        jnp.swapaxes(u_pred, 0, 1),
        jnp.swapaxes(u_obs, 0, 1),
        thresh_s2_,
        log_thresh_s2_range,
    )

# --- scband reference (transcript-rebuilt; emitter-appended) ---
"""Pipeline reference for scband-trajectory-score-7533372637221 (READ-ONLY COPY).

The authoritative reference and input builder live on the scoring server;
editing this copy changes nothing except your own understanding.
"""

import jax, jax.numpy as jnp
import numpy as np

BATCH = 16
SEQ = 2048
DATA = BATCH * SEQ

def deg2dist(deg):
    return 2.0 * np.sin(np.radians(deg) / 2.0)

THRESH_S2_MIN = np.float32(deg2dist(10.0 / 3600.0) ** 2)

def setup_inputs(seed: int = 0):
    key = jax.random.key(seed)
    k1, k2, k3 = jax.random.split(key, 3)
    u_obs = jax.random.normal(k1, (DATA, 3), dtype=jnp.float32)
    u_obs = u_obs / jnp.linalg.norm(u_obs, axis=-1, keepdims=True)
    pert = 0.01 * jax.random.normal(k2, (DATA, 3), dtype=jnp.float32)
    u_pred = u_obs + pert
    u_pred = u_pred / jnp.linalg.norm(u_pred, axis=-1, keepdims=True)
    row_lengths = jnp.full((BATCH,), SEQ, dtype=jnp.int32)
    thresh_deg_max = np.full((BATCH,), 1.0, dtype=np.float32)
    thresh_s2_max = deg2dist(thresh_deg_max) ** 2
    log_thresh_s2_range = np.log(thresh_s2_max / THRESH_S2_MIN).astype(np.float32)
    thresh_s2_ = np.full((BATCH,), 0.8, dtype=np.float32)
    return {
        'u_pred': u_pred,
        'u_obs': u_obs,
        'thresh_s2_': jnp.asarray(thresh_s2_),
        'log_thresh_s2_range': jnp.asarray(log_thresh_s2_range),
        'row_lengths': row_lengths,
    }

def reference(u_pred, u_obs, thresh_s2_, log_thresh_s2_range, row_lengths):
    # get_thresh_s2: thresh_s2_min * exp(thresh_s2_ * log_thresh_s2_range)
    thresh_s2_elt = THRESH_S2_MIN * jnp.exp(thresh_s2_ * log_thresh_s2_range)
    # calc_dist
    du = u_pred - u_obs
    s2_all = jnp.sum(du * du, axis=-1)
    # repeat per-element threshold across ragged rows to the flat data layout
    thresh_s2_all = jnp.repeat(thresh_s2_elt, row_lengths,
                               total_repeat_length=s2_all.shape[0])
    is_close = s2_all < thresh_s2_all
    # static-shape equivalent of tf.boolean_mask: zero out far entries
    s2 = jnp.where(is_close, s2_all, 0.0)
    v = jnp.where(is_close, s2_all / thresh_s2_all, 0.0)
    return jnp.stack([s2, v], axis=0)

if __name__ == "__main__":
    import jax
    _d = setup_inputs()
    print(jax.jit(kernel)(*tuple(_d.values())))

</pallas_src>

<mosaic_0001>
#map = affine_map<(d0, d1) -> (0, 0)>
#map1 = affine_map<(d0, d1) -> (0)>
module attributes {stable_mosaic.version = 14 : i64} {
  func.func @_body(%arg0: i32, %arg1: i32, %arg2: memref<3x32768xf32, #tpu.memory_space<hbm>>, %arg3: memref<3x32768xf32, #tpu.memory_space<hbm>>, %arg4: memref<16xf32, #tpu.memory_space<hbm>>, %arg5: memref<16xf32, #tpu.memory_space<hbm>>, %arg6: memref<2x32768xf32, #tpu.memory_space<hbm>>, %arg7: memref<3x2048xf32, #tpu.memory_space<vmem>>, %arg8: memref<3x2048xf32, #tpu.memory_space<vmem>>, %arg9: memref<16xf32, #tpu.memory_space<vmem>>, %arg10: memref<16xf32, #tpu.memory_space<vmem>>, %arg11: memref<16xf32, #tpu.memory_space<vmem>>, %arg12: memref<2x2048xf32, #tpu.memory_space<vmem>>, %arg13: memref<!tpu.dma_semaphore, #tpu.memory_space<semaphore_mem>>, %arg14: memref<!tpu.dma_semaphore, #tpu.memory_space<semaphore_mem>>) attributes {dimension_semantics = [#tpu.dimension_semantics<core_parallel>, #tpu.dimension_semantics<subcore_parallel>], iteration_bounds = array<i64: 1, 16>, scalar_prefetch = 0 : i64, scratch_operands = 8 : i64, tpu.core_type = #tpu.core_type<sc_vector_subcore>, window_params = [{transform_indices = #map}, {transform_indices = #map}, {transform_indices = #map1}, {transform_indices = #map1}, {transform_indices = #map}]} {
    %mul3A = arith.constant 2048 : i32
    %mul3A_0 = arith.muli %arg1, %mul3A : i32
    %dma_start3A = arith.constant 0 : i32
    %dma_start3A_1 = tpu.memref_slice %arg2[%dma_start3A, %mul3A_0] : memref<3x32768xf32, #tpu.memory_space<hbm>> -> memref<3x2048xf32, #tpu.memory_space<hbm>>
    %dma_start3A_2 = arith.constant 0 : i32
    %dma_start3A_3 = tpu.memref_slice %arg2[%dma_start3A_2, %mul3A_0] : memref<3x32768xf32, #tpu.memory_space<hbm>> -> memref<3x2048xf32, #tpu.memory_space<hbm>>
    tpu.enqueue_dma source(%dma_start3A_3 : memref<3x2048xf32, #tpu.memory_space<hbm>>) target(%arg7 : memref<3x2048xf32, #tpu.memory_space<vmem>>) target_semaphore(%arg13 : memref<!tpu.dma_semaphore, #tpu.memory_space<semaphore_mem>>)
    %dma_start3A_4 = arith.constant 0 : i32
    %dma_start3A_5 = tpu.memref_slice %arg3[%dma_start3A_4, %mul3A_0] : memref<3x32768xf32, #tpu.memory_space<hbm>> -> memref<3x2048xf32, #tpu.memory_space<hbm>>
    %dma_start3A_6 = arith.constant 0 : i32
    %dma_start3A_7 = tpu.memref_slice %arg3[%dma_start3A_6, %mul3A_0] : memref<3x32768xf32, #tpu.memory_space<hbm>> -> memref<3x2048xf32, #tpu.memory_space<hbm>>
    tpu.enqueue_dma source(%dma_start3A_7 : memref<3x2048xf32, #tpu.memory_space<hbm>>) target(%arg8 : memref<3x2048xf32, #tpu.memory_space<vmem>>) target_semaphore(%arg14 : memref<!tpu.dma_semaphore, #tpu.memory_space<semaphore_mem>>)
    "tpu.region"() ({
      %run_scoped3A = tpu.sem_alloc : memref<!tpu.dma_semaphore, #tpu.memory_space<semaphore_mem>>
      tpu.enqueue_dma source(%arg4 : memref<16xf32, #tpu.memory_space<hbm>>) target(%arg9 : memref<16xf32, #tpu.memory_space<vmem>>) target_semaphore(%run_scoped3A : memref<!tpu.dma_semaphore, #tpu.memory_space<semaphore_mem>>)
      tpu.wait_dma2 semaphore(%run_scoped3A : memref<!tpu.dma_semaphore, #tpu.memory_space<semaphore_mem>>) src(%arg4 : memref<16xf32, #tpu.memory_space<hbm>>) dst(%arg9 : memref<16xf32, #tpu.memory_space<vmem>>)
      tpu.yield
    }) : () -> ()
    "tpu.region"() ({
      %run_scoped3A = tpu.sem_alloc : memref<!tpu.dma_semaphore, #tpu.memory_space<semaphore_mem>>
      tpu.enqueue_dma source(%arg5 : memref<16xf32, #tpu.memory_space<hbm>>) target(%arg10 : memref<16xf32, #tpu.memory_space<vmem>>) target_semaphore(%run_scoped3A : memref<!tpu.dma_semaphore, #tpu.memory_space<semaphore_mem>>)
      tpu.wait_dma2 semaphore(%run_scoped3A : memref<!tpu.dma_semaphore, #tpu.memory_space<semaphore_mem>>) src(%arg5 : memref<16xf32, #tpu.memory_space<hbm>>) dst(%arg10 : memref<16xf32, #tpu.memory_space<vmem>>)
      tpu.yield
    }) : () -> ()
    %get3A = arith.constant 0 : index
    %get3A_8 = tpu.vector_load %arg9[%get3A] {strides = array<i32>} : memref<16xf32, #tpu.memory_space<vmem>>, vector<16xf32>,
    %get3A_9 = arith.constant 0 : index
    %get3A_10 = tpu.vector_load %arg10[%get3A_9] {strides = array<i32>} : memref<16xf32, #tpu.memory_space<vmem>>, vector<16xf32>,
    %mul3A_11 = arith.mulf %get3A_8, %get3A_10 : vector<16xf32>
    %exp3A = math.exp %mul3A_11 : vector<16xf32>
    %mul3A_12 = arith.constant 2.35044295E-9 : f32
    %mul3A_13 = vector.broadcast %mul3A_12 : f32 to vector<16xf32>
    %mul3A_14 = arith.mulf %mul3A_13, %exp3A : vector<16xf32>
    %swap3A = arith.constant 0 : index
    %swap3A_15 = tpu.vector_load %arg11[%swap3A] {strides = array<i32>} : memref<16xf32, #tpu.memory_space<vmem>>, vector<16xf32>,
    tpu.vector_store %arg11[%swap3A], %mul3A_14 {strides = array<i32>} : memref<16xf32, #tpu.memory_space<vmem>>, vector<16xf32>,
    %jit3A = arith.constant 2048 : i32
    %div3A = arith.divsi %mul3A_0, %jit3A : i32
    %sign3A = arith.constant 0 : i32
    %sign3A_16 = arith.cmpi sgt, %mul3A_0, %sign3A : i32
    %sign3A_17 = arith.extui %sign3A_16 : i1 to i32
    %sign3A_18 = arith.constant 0 : i32
    %sign3A_19 = arith.cmpi slt, %mul3A_0, %sign3A_18 : i32
    %sign3A_20 = arith.extui %sign3A_19 : i1 to i32
    %sign3A_21 = arith.subi %sign3A_17, %sign3A_20 : i32
    %sign3A_22 = arith.constant 0 : i32
    %sign3A_23 = arith.cmpi sgt, %jit3A, %sign3A_22 : i32
    %sign3A_24 = arith.extui %sign3A_23 : i1 to i32
    %sign3A_25 = arith.constant 0 : i32
    %sign3A_26 = arith.cmpi slt, %jit3A, %sign3A_25 : i32
    %sign3A_27 = arith.extui %sign3A_26 : i1 to i32
    %sign3A_28 = arith.subi %sign3A_24, %sign3A_27 : i32
    %ne3A = arith.cmpi ne, %sign3A_21, %sign3A_28 : i32
    %rem3A = arith.remsi %mul3A_0, %jit3A : i32
    %ne3A_29 = arith.constant 0 : i32
    %ne3A_30 = arith.cmpi ne, %rem3A, %ne3A_29 : i32
    %and3A = arith.andi %ne3A, %ne3A_30 : i1
    %sub3A = arith.constant 1 : i32
    %sub3A_31 = arith.subi %div3A, %sub3A : i32
    %select_n3A = arith.select %and3A, %sub3A_31, %div3A : i32
    %broadcast_in_dim3A = vector.broadcast %select_n3A : i32 to vector<16xi32>
    %gather3A = tpu.vector_load_idx %arg11[%broadcast_in_dim3A] : memref<16xf32, #tpu.memory_space<vmem>>[vector<16xi32>], vector<16xf32>,
    %div3A_32 = arith.constant 1.000000e+00 : f32
    %div3A_33 = vector.broadcast %div3A_32 : f32 to vector<16xf32>
    %div3A_34 = arith.divf %div3A_33, %gather3A : vector<16xf32>
    %dma_wait3A = arith.constant 0 : i32
    %dma_wait3A_35 = tpu.memref_slice %arg2[%dma_wait3A, %mul3A_0] : memref<3x32768xf32, #tpu.memory_space<hbm>> -> memref<3x2048xf32, #tpu.memory_space<hbm>>
    %dma_wait3A_36 = arith.constant 0 : i32
    %dma_wait3A_37 = tpu.memref_slice %arg2[%dma_wait3A_36, %mul3A_0] : memref<3x32768xf32, #tpu.memory_space<hbm>> -> memref<3x2048xf32, #tpu.memory_space<hbm>>
    tpu.wait_dma2 semaphore(%arg13 : memref<!tpu.dma_semaphore, #tpu.memory_space<semaphore_mem>>) src(%dma_wait3A_37 : memref<3x2048xf32, #tpu.memory_space<hbm>>) dst(%arg7 : memref<3x2048xf32, #tpu.memory_space<vmem>>)
    %dma_wait3A_38 = arith.constant 0 : i32
    %dma_wait3A_39 = tpu.memref_slice %arg3[%dma_wait3A_38, %mul3A_0] : memref<3x32768xf32, #tpu.memory_space<hbm>> -> memref<3x2048xf32, #tpu.memory_space<hbm>>
    %dma_wait3A_40 = arith.constant 0 : i32
    %dma_wait3A_41 = tpu.memref_slice %arg3[%dma_wait3A_40, %mul3A_0] : memref<3x32768xf32, #tpu.memory_space<hbm>> -> memref<3x2048xf32, #tpu.memory_space<hbm>>
    tpu.wait_dma2 semaphore(%arg14 : memref<!tpu.dma_semaphore, #tpu.memory_space<semaphore_mem>>) src(%dma_wait3A_41 : memref<3x2048xf32, #tpu.memory_space<hbm>>) dst(%arg8 : memref<3x2048xf32, #tpu.memory_space<vmem>>)
    %broadcast_in_dim3A_42 = arith.constant 0.000000e+00 : f32
    %broadcast_in_dim3A_43 = vector.broadcast %broadcast_in_dim3A_42 : f32 to vector<16xf32>
    %parallel_loop3A = arith.constant 0 : i32
    %parallel_loop3A_44 = arith.constant 128 : i32
    %parallel_loop3A_45 = arith.constant 1 : i32
    scf.for %parallel_loop3A_46 = %parallel_loop3A to %parallel_loop3A_44 step %parallel_loop3A_45  : i32 {
      %parallel_loop3A_47 = arith.constant 16 : i32
      %parallel_loop3A_48 = arith.muli %parallel_loop3A_46, %parallel_loop3A_47 : i32
      %parallel_loop3A_49 = arith.constant 0 : i32
      %parallel_loop3A_50 = arith.index_cast %parallel_loop3A_49 : i32 to index
      %parallel_loop3A_51 = arith.index_cast %parallel_loop3A_48 : i32 to index
      %parallel_loop3A_52 = tpu.vector_load %arg7[%parallel_loop3A_50, %parallel_loop3A_51] {strides = array<i32>} : memref<3x2048xf32, #tpu.memory_space<vmem>>, vector<16xf32>,
      %parallel_loop3A_53 = arith.constant 0 : i32
      %parallel_loop3A_54 = arith.index_cast %parallel_loop3A_53 : i32 to index
      %parallel_loop3A_55 = arith.index_cast %parallel_loop3A_48 : i32 to index
      %parallel_loop3A_56 = tpu.vector_load %arg8[%parallel_loop3A_54, %parallel_loop3A_55] {strides = array<i32>} : memref<3x2048xf32, #tpu.memory_space<vmem>>, vector<16xf32>,
      %parallel_loop3A_57 = arith.subf %parallel_loop3A_52, %parallel_loop3A_56 : vector<16xf32>
      %parallel_loop3A_58 = arith.constant 1 : i32
      %parallel_loop3A_59 = arith.index_cast %parallel_loop3A_58 : i32 to index
      %parallel_loop3A_60 = arith.index_cast %parallel_loop3A_48 : i32 to index
      %parallel_loop3A_61 = tpu.vector_load %arg7[%parallel_loop3A_59, %parallel_loop3A_60] {strides = array<i32>} : memref<3x2048xf32, #tpu.memory_space<vmem>>, vector<16xf32>,
      %parallel_loop3A_62 = arith.constant 1 : i32
      %parallel_loop3A_63 = arith.index_cast %parallel_loop3A_62 : i32 to index
      %parallel_loop3A_64 = arith.index_cast %parallel_loop3A_48 : i32 to index
      %parallel_loop3A_65 = tpu.vector_load %arg8[%parallel_loop3A_63, %parallel_loop3A_64] {strides = array<i32>} : memref<3x2048xf32, #tpu.memory_space<vmem>>, vector<16xf32>,
      %parallel_loop3A_66 = arith.subf %parallel_loop3A_61, %parallel_loop3A_65 : vector<16xf32>
      %parallel_loop3A_67 = arith.constant 2 : i32
      %parallel_loop3A_68 = arith.index_cast %parallel_loop3A_67 : i32 to index
      %parallel_loop3A_69 = arith.index_cast %parallel_loop3A_48 : i32 to index
      %parallel_loop3A_70 = tpu.vector_load %arg7[%parallel_loop3A_68, %parallel_loop3A_69] {strides = array<i32>} : memref<3x2048xf32, #tpu.memory_space<vmem>>, vector<16xf32>,
      %parallel_loop3A_71 = arith.constant 2 : i32
      %parallel_loop3A_72 = arith.index_cast %parallel_loop3A_71 : i32 to index
      %parallel_loop3A_73 = arith.index_cast %parallel_loop3A_48 : i32 to index
      %parallel_loop3A_74 = tpu.vector_load %arg8[%parallel_loop3A_72, %parallel_loop3A_73] {strides = array<i32>} : memref<3x2048xf32, #tpu.memory_space<vmem>>, vector<16xf32>,
      %parallel_loop3A_75 = arith.subf %parallel_loop3A_70, %parallel_loop3A_74 : vector<16xf32>
      %parallel_loop3A_76 = arith.mulf %parallel_loop3A_57, %parallel_loop3A_57 : vector<16xf32>
      %parallel_loop3A_77 = arith.mulf %parallel_loop3A_66, %parallel_loop3A_66 : vector<16xf32>
      %parallel_loop3A_78 = arith.addf %parallel_loop3A_76, %parallel_loop3A_77 : vector<16xf32>
      %parallel_loop3A_79 = arith.mulf %parallel_loop3A_75, %parallel_loop3A_75 : vector<16xf32>
      %parallel_loop3A_80 = arith.addf %parallel_loop3A_78, %parallel_loop3A_79 : vector<16xf32>
      %parallel_loop3A_81 = arith.cmpf olt, %parallel_loop3A_80, %gather3A : vector<16xf32>
      %parallel_loop3A_82 = arith.select %parallel_loop3A_81, %parallel_loop3A_80, %broadcast_in_dim3A_43 : vector<16xi1>, vector<16xf32>
      %parallel_loop3A_83 = arith.constant 0 : i32
      %parallel_loop3A_84 = arith.index_cast %parallel_loop3A_83 : i32 to index
      %parallel_loop3A_85 = arith.index_cast %parallel_loop3A_48 : i32 to index
      %parallel_loop3A_86 = tpu.vector_load %arg12[%parallel_loop3A_84, %parallel_loop3A_85] {strides = array<i32>} : memref<2x2048xf32, #tpu.memory_space<vmem>>, vector<16xf32>,
      tpu.vector_store %arg12[%parallel_loop3A_84, %parallel_loop3A_85], %parallel_loop3A_82 {strides = array<i32>} : memref<2x2048xf32, #tpu.memory_space<vmem>>, vector<16xf32>,
      %parallel_loop3A_87 = arith.mulf %parallel_loop3A_80, %div3A_34 : vector<16xf32>
      %parallel_loop3A_88 = arith.select %parallel_loop3A_81, %parallel_loop3A_87, %broadcast_in_dim3A_43 : vector<16xi1>, vector<16xf32>
      %parallel_loop3A_89 = arith.constant 1 : i32
      %parallel_loop3A_90 = arith.index_cast %parallel_loop3A_89 : i32 to index
      %parallel_loop3A_91 = arith.index_cast %parallel_loop3A_48 : i32 to index
      %parallel_loop3A_92 = tpu.vector_load %arg12[%parallel_loop3A_90, %parallel_loop3A_91] {strides = array<i32>} : memref<2x2048xf32, #tpu.memory_space<vmem>>, vector<16xf32>,
      tpu.vector_store %arg12[%parallel_loop3A_90, %parallel_loop3A_91], %parallel_loop3A_88 {strides = array<i32>} : memref<2x2048xf32, #tpu.memory_space<vmem>>, vector<16xf32>,
    } {sc.loop_unroll_factor = 2 : i64, sc.parallel_access}
    "tpu.region"() ({
      %run_scoped3A = tpu.sem_alloc : memref<!tpu.dma_semaphore, #tpu.memory_space<semaphore_mem>>
      %dma_start3A_46 = arith.constant 0 : i32
      %dma_start3A_47 = tpu.memref_slice %arg6[%dma_start3A_46, %mul3A_0] : memref<2x32768xf32, #tpu.memory_space<hbm>> -> memref<2x2048xf32, #tpu.memory_space<hbm>>
      %dma_start3A_48 = arith.constant 0 : i32
      %dma_start3A_49 = tpu.memref_slice %arg6[%dma_start3A_48, %mul3A_0] : memref<2x32768xf32, #tpu.memory_space<hbm>> -> memref<2x2048xf32, #tpu.memory_space<hbm>>
      tpu.enqueue_dma source(%arg12 : memref<2x2048xf32, #tpu.memory_space<vmem>>) target(%dma_start3A_49 : memref<2x2048xf32, #tpu.memory_space<hbm>>) target_semaphore(%run_scoped3A : memref<!tpu.dma_semaphore, #tpu.memory_space<semaphore_mem>>)
      %dma_wait3A_50 = arith.constant 0 : i32
      %dma_wait3A_51 = tpu.memref_slice %arg6[%dma_wait3A_50, %mul3A_0] : memref<2x32768xf32, #tpu.memory_space<hbm>> -> memref<2x2048xf32, #tpu.memory_space<hbm>>
      %dma_wait3A_52 = arith.constant 0 : i32
      %dma_wait3A_53 = tpu.memref_slice %arg6[%dma_wait3A_52, %mul3A_0] : memref<2x32768xf32, #tpu.memory_space<hbm>> -> memref<2x2048xf32, #tpu.memory_space<hbm>>
      tpu.wait_dma2 semaphore(%run_scoped3A : memref<!tpu.dma_semaphore, #tpu.memory_space<semaphore_mem>>) src(%arg12 : memref<2x2048xf32, #tpu.memory_space<vmem>>) dst(%dma_wait3A_53 : memref<2x2048xf32, #tpu.memory_space<hbm>>)
      tpu.yield
    }) : () -> ()
    return
  }
}

</mosaic_0001>

<sc_bundles>
// kernel: kernel.3.cloned.1.call-start
scs
__scs_entry_jumppad:
0x0: {  	(pc) =	sbr.rel $0x88, $3  }
0x1: {  	(tag) =	ssettag $0x0;
	lr =	simm.s32 $0x1  }
0x2: {  	[smem:$0x3F9D] =	sst lr;
	_ =	strace $0xD0000000  }
0x3: {  	_ = 	snop  }
0x4: {  	_ = 	snop  }
0x5: {  	_ = 	snop  }
0x6: {  	_ = 	snop  }
0x7: {  	_ = 	snop  }
__scs_overlays_trampoline_lowered:
0x8: {  	[smem:$0x3FAC] =	sst s0  }
0x9: {  	[smem:$0x3FAD] =	sst s1  }
0xa: {  	[smem:$0x3FAE] =	sst s2  }
0xb: {  	[smem:$0x3FAF] =	sst s3  }
0xc: {  	[smem:$0x3FB0] =	sst s4  }
0xd: {  	[smem:$0x3FB1] =	sst s5  }
0xe: {  	[smem:$0x3FB2] =	sst s6  }
0xf: {  	[smem:$0x3FB3] =	sst s7  }
0x10: {  	[smem:$0x3FB4] =	sst s8  }
0x11: {  	[smem:$0x3FB5] =	sst s9;
	s0 =	simm.s32 @!p0 $0x0  }
0x12: {  	s1 =	sld [smem:$0x3F9B];
	s0 =	simm.s32 @p0 $0x1  }
0x13: {  	[smem:$0x3FB6] =	sst s0;
	s0 =	simm.s32 @!p1 $0x0  }
0x14: {  	s2 =	sld [smem:$0x3F9A];
	s0 =	simm.s32 @p1 $0x1  }
0x15: {  	[smem:$0x3FB7] =	sst s0;
	s0 =	simm.s32 @!p2 $0x0  }
0x16: {  	s3 =	sld [smem:$0x3FDB];
	s0 =	simm.s32 @p2 $0x1  }
0x17: {  	s4 =	simm.s32 $0x1BF5;
	[smem:$0x3FB9] =	sst s0  }
0x18: {  	s0 =	sld [smem:$0x3F9C];
	_ =	swait.ge [sflag:s4], $0x0  }
0x19: {  	s7 =	sld [smem:$0x3F9D]  }
0x1a: {  	s8 =	sadd.s32 $0xFFFFE003, lr  }
0x1b: {  	s9 =	sadd.s32 $0xFFFFFEF7, lr;
	s5 =	simm.s32 $0xFFFFFFFF;
	p2 =	slt.u32 s8, $0xFFFFF086  }
0x1c: {  	p1 =	slt.u32 s9, $0xF7A;
	s5 =	simm.s32 @!p2 $0x0  }
0x1d: {  	s5 =	simm.s32 @p1 $0x1;
	p0 =	seq.s32 s7, s2  }
0x1e: {  	s7 =	smul.u32 @!p0 $0xF7A, s2;
	p2 =	seq.s32 @!p0 s5, $0x0  }
0x1f: {  	s9 =	smul.u32 $0xF7A, s1;
	s8 =	simm.s32 @!p0 $0x1BF5;
	p2 =	por !p2, p0  }
0x20: {  	[sflag:s8] =	ssyncset.s32 @!p0 $0xFFFFF086;
	s6 =	sadd.s32 @!p0 s3, s7;
	s7 =	simm.s32 @!p0 $0x108  }
0x21: {  	s3 =	sadd.s32 s3, s9;
	s6 =	sadd.s32 @!p0 $0x88, s6;
	s7 =	simm.s32 @p2 $0x1082  }
0x22: {  	[simem:s7], [sflag:s8] =	dma.local @!p0 [hbm:s6], $0xF7A  }
0x23: {  	s9 =	sor.u32 $0xD0000000, s2;
	s6 =	simm.s32 $0x108;
	_ =	swait.ge @!p0 [sflag:s8], $0x0  }
0x24: {  	s3 =	sadd.s32 $0x88, s3;
	s6 =	simm.s32 @!p1 $0x1082;
	[sflag:s4] =	ssyncset.s32 $0xFFFFF086  }
0x25: {  	[simem:s6], [sflag:s4] =	dma.local [hbm:s3], $0xF7A  }
0x26: {  	[smem:$0x3F9D] =	sst s1;
	(tag) =	ssettag s2;
	_ =	strace s9  }
0x27: {  	s1 =	sld [smem:$0x3FAD]  }
0x28: {  	s2 =	sld [smem:$0x3FAE]  }
0x29: {  	s4 =	sld [smem:$0x3FB0]  }
0x2a: {  	p0 =	seq.s32 s5, $0x0;
	s5 =	sld [smem:$0x3FB1]  }
0x2b: {  	s6 =	sld [smem:$0x3FB2]  }
0x2c: {  	s7 =	sld [smem:$0x3FB3]  }
0x2d: {  	s3 =	simm.s32 $0x108;
	s8 =	sld [smem:$0x3FB4]  }
0x2e: {  	s3 =	simm.s32 @!p0 $0x1082;
	s9 =	sld [smem:$0x3FB5]  }
0x2f: {  	lr =	sadd.s32 s0, s3;
	s0 =	sld [smem:$0x3FAC]  }
0x30: {  	s3 =	sld [smem:$0x3FAF]  }
0x31: {  	[smem:$0x3FB8] =	sst s10  }
0x32: {  	s10 =	sld [smem:$0x3FB6];
	_ =	sdelay $0x3  }
0x33: {  	p0 =	seq.s32 s10, $0x1;
	s10 =	sld [smem:$0x3FB8];
	_ =	sdelay $0x3  }
0x34: {  	[smem:$0x3FB8] =	sst s10  }
0x35: {  	s10 =	sld [smem:$0x3FB7];
	_ =	sdelay $0x3  }
0x36: {  	p1 =	seq.s32 s10, $0x1;
	s10 =	sld [smem:$0x3FB8];
	_ =	sdelay $0x3  }
0x37: {  	[smem:$0x3FB8] =	sst s10  }
0x38: {  	s10 =	sld [smem:$0x3FB9]  }
0x39: {  	_ = 	snop;
	(pc) =	sbr.ind lr, $3  }
0x3a: {  	_ = 	snop  }
0x3b: {  	_ = 	snop  }
0x3c: {  	p2 =	seq.s32 s10, $0x1;
	s10 =	sld [smem:$0x3FB8]  }
0x3d: {  	_ =	shalt  }
0x3e: {  	_ =	shalt  }
0x3f: {  	_ =	shalt  }
0x40: {  	_ =	shalt  }
0x41: {  	_ =	shalt  }
0x42: {  	_ =	shalt  }
0x43: {  	_ =	shalt  }
0x44: {  	_ =	shalt  }
0x45: {  	_ =	shalt  }
0x46: {  	_ =	shalt  }
0x47: {  	_ =	shalt  }
0x48: {  	_ =	shalt  }
0x49: {  	_ =	shalt  }
0x4a: {  	_ =	shalt  }
0x4b: {  	_ =	shalt  }
0x4c: {  	_ =	shalt  }
0x4d: {  	_ =	shalt  }
0x4e: {  	_ =	shalt  }
0x4f: {  	_ =	shalt  }
0x50: {  	_ =	shalt  }
0x51: {  	_ =	shalt  }
0x52: {  	_ =	shalt  }
0x53: {  	_ =	shalt  }
0x54: {  	_ =	shalt  }
0x55: {  	_ =	shalt  }
0x56: {  	_ =	shalt  }
0x57: {  	_ =	shalt  }
0x58: {  	_ =	shalt  }
0x59: {  	_ =	shalt  }
0x5a: {  	_ =	shalt  }
0x5b: {  	_ =	shalt  }
0x5c: {  	_ =	shalt  }
0x5d: {  	_ =	shalt  }
0x5e: {  	_ =	shalt  }
0x5f: {  	_ =	shalt  }
0x60: {  	_ =	shalt  }
0x61: {  	_ =	shalt  }
0x62: {  	_ =	shalt  }
0x63: {  	_ =	shalt  }
0x64: {  	_ =	shalt  }
0x65: {  	_ =	shalt  }
0x66: {  	_ =	shalt  }
0x67: {  	_ =	shalt  }
0x68: {  	_ =	shalt  }
0x69: {  	_ =	shalt  }
0x6a: {  	_ =	shalt  }
0x6b: {  	_ =	shalt  }
0x6c: {  	_ =	shalt  }
0x6d: {  	_ =	shalt  }
0x6e: {  	_ =	shalt  }
0x6f: {  	_ =	shalt  }
0x70: {  	_ =	shalt  }
0x71: {  	_ =	shalt  }
0x72: {  	_ =	shalt  }
0x73: {  	_ =	shalt  }
0x74: {  	_ =	shalt  }
0x75: {  	_ =	shalt  }
0x76: {  	_ =	shalt  }
0x77: {  	_ =	shalt  }
0x78: {  	_ =	shalt  }
0x79: {  	_ =	shalt  }
0x7a: {  	_ =	shalt  }
0x7b: {  	_ =	shalt  }
0x7c: {  	_ =	shalt  }
0x7d: {  	_ =	shalt  }
0x7e: {  	_ =	shalt  }
0x7f: {  	_ =	shalt  }
0x80: {  	_ =	shalt  }
0x81: {  	_ =	shalt  }
0x82: {  	_ =	shalt  }
0x83: {  	_ =	shalt  }
0x84: {  	_ =	shalt  }
0x85: {  	_ =	shalt  }
0x86: {  	_ =	shalt  }
0x87: {  	_ =	shalt  }
.Lfunc_end0:
.L_simem_size_0:
called_computation_lowered:
.L_overlay_start_0:
0x88: {  	s0 =	sld [smem:$0x3FD9]  }
0x89: {  	s1 =	sld [smem:$0x3FFE];
	_ =	sdelay $0x3  }
0x8a: {  	s0 =	sadd.s32 s1, s0  }
0x8b: {  	[smem:$0x3FC4] =	sst s0  }
0x8c: {  	_ = 	snop  }
0x8d: {  	s0 =	sld [smem:$0x3FC9]  }
0x8e: {  	s17 =	sld [smem:$0x3FC8]  }
0x8f: {  	s2 =	sld [smem:$0x3FC7]  }
0x90: {  	s3 =	sld [smem:$0x3FC6]  }
0x91: {  	s4 =	sld [smem:$0x3FD0];
	(tm) =	ssettm $0x1  }
0x92: {  	s5 =	sld [smem:$0x3FFB];
	_ =	sdelay $0x3  }
0x93: {  	_ =	strace s5  }
0x94: {  	s5 =	sld [smem:$0x3FFC];
	_ =	sdelay $0x3  }
0x95: {  	_ =	strace s5  }
0x96: {  	s5 =	sld [smem:$0x3FFD];
	_ =	sdelay $0x3  }
0x97: {  	_ =	strace s5  }
0x98: {  	_ =	strace $0x8FFFFFFF  }
0x99: {  	s18 =	sld [smem:$0x3FDB];
	_ =	sdelay $0x1  }
0x9a: {  	s6 =	simm.s32 $_scs_section_size  }
0x9b: {  	s7 =	simm.s32 $_size__tile_overlayer_lowered;
	s8 =	simm.s32 $_tile_overlayer_lowered  }
0x9c: {  	s21 =	simm.s32 $0x1BFF;
	s20 =	sshll.u32 s8, $0x1;
	s5 =	sadd.s32 s6, s18  }
0x9d: {  	s9 =	simm.s32 $0x0;
	s19 =	sshll.u32 s7, $0x1;
	s7 =	sadd.s32 s20, s5  }
0x9e: {  	[timem:s9], [sflag:s21] =	dma.local [hbm:s7], s19  }
0x9f: {  	_ =	swait.ge [sflag:s21], s19  }
0xa0: {  	s6 =	ssub.s32 $0x0, s19;
	[sflag:s21] =	ssyncset.done $0x0  }
0xa1: {  	[sflag:s21] =	ssyncadd.s32 s6;
	_ =	sdelay $0x1  }
0xa2: {  	s22 =	simm.s32 $0x1B8B  }
0xa3: {  	_ =	swait.ge [sflag:s22], $0x1  }
0xa4: {  	[sflag:s22] =	ssyncset.done $0x0  }
0xa5: {  	s23 =	simm.s32 $0x1B8E;
	[sflag:s22] =	ssyncadd.s32 $0xFFFFFFFF  }
0xa6: {  	s24 =	simm.s32 $execute0_lowered;
	[smem:$0x3FD2] =	sst s23  }
0xa7: {  	s6 =	sshll.u32 s24, $0x1;
	_ =	strace $0x80000046;
	[dreg:$0x1] =	wrdreg $0xFFFFFFFF  }
0xa8: {  	s25 =	simm.s32 $_size_execute0_lowered;
	s5 =	sadd.s32 s5, s6;
	[dreg:$0x0] =	wrdreg $0x0  }
0xa9: {  	s6 =	sshll.u32 s25, $0x1;
	[dreg:$0x2] =	wrdreg s5  }
0xaa: {  	[dreg:$0x3] =	wrdreg s6  }
0xab: {  	[dreg:$0x4] =	wrdreg $0xC0  }
0xac: {  	_ =	task [dreg:s9], $0x5FFFF  }
0xad: {  	[dreg:$0x1] =	wrdreg $0xFFFFFFFF  }
0xae: {  	[dreg:$0x0] =	wrdreg $0x60  }
0xaf: {  	[dreg:$0x2] =	wrdreg s0  }
0xb0: {  	[dreg:$0x3] =	wrdreg s17  }
0xb1: {  	[dreg:$0x4] =	wrdreg s2  }
0xb2: {  	[dreg:$0x5] =	wrdreg s3  }
0xb3: {  	[dreg:$0x6] =	wrdreg s4  }
0xb4: {  	[dreg:$0x7] =	wrdreg $0x9  }
0xb5: {  	_ =	task.clear_ibuf [dreg:s9], $0x8FFFF;
	_ =	strace $0x90000046  }
0xb6: {  	s26 =	simm.s32 $0x9;
	_ =	strace $0x80000048  }
0xb7: {  	_ =	swait.ge [sflag:s26], $0x1  }
0xb8: {  	[sflag:s26] =	ssyncadd.s32 $0xFFFFFFFF  }
0xb9: {  	_ =	strace $0x90000048  }
0xba: {  	_ =	sfence  }
0xbb: {  	s28 =	sld [smem:$0x0];
	_ =	sdelay $0x1  }
0xbc: {  	s29 =	srdreg.scid  }
0xbd: {  	s30 =	sshll.u32 s29, $0xD;
	s31 =	sshrl.u32 s29, $0x2  }
0xbe: {  	s1 =	sand.u32 $0x1, s29;
	s2 =	sand.u32 $0x4000, s30;
	s0 =	sadd.s32 s31, s28  }
0xbf: {  	s1 =	sor.u32 s2, s1;
	s0 =	sshll.u32 s0, $0x11  }
0xc0: {  	s0 =	sor.u32 s0, s1  }
0xc1: {  	s0 =	sadd.s32 $0x8F2B, s0  }
0xc2: {  	[sflag:s0] =	ssyncadd.remote.s32 $0x1  }
0xc3: {  	_ =	sfence.sel $0xFFFF  }
0xc4: {  	[dreg:$0x0] =	wrdreg $0xFFFFFFFF;
	(pc) =	sbr.abs _section_cstart, $3  }
0xc5: {  	[dreg:$0x1] =	wrdreg $0xFFFFFFFF  }
0xc6: {  	_ =	task.clear_ibuf [dreg:s9], $0x2FFFF;
	_ =	strace $0x9FFFFFFF  }
0xc7: {  	(tm) =	ssettm $0x7FFFFFFF  }
tec
execute0_lowered:
.L_overlay_start_1:
0x0: {  	(tag) =	ssettag $0x1  }
0x1: {  	s3 =	rddreg [dreg:$0x0]  }
0x2: {  	s4 =	rddreg [dreg:$0x1]  }
0x3: {  	s5 =	rddreg [dreg:$0x2]  }
0x4: {  	s6 =	rddreg [dreg:$0x3]  }
0x5: {  	s2 =	rddreg [dreg:$0x4];
	s7 =	simm.s32 $0x0;
	s1 =	stileid.u32  }
0x6: {  	[smem:$0x7FF] =	sst s7;
	s8 =	sshll.u32 s1, $0xA  }
0x7: {  	s0 =	rddreg [dreg:$0x5];
	_ =	strace $0x80000047;
	s3 =	sadd.s32 s3, s8  }
0x8: {  	[tilespmem:s7], [sflag:$0x1] =	stream.linear.gather [hbm4b:s3+s7], $0x2000, $0x38;
	[tilespmem:$0x5180] =	vst v63  }
0x9: {  	s18 =	simm.s32 $0x2000;
	s17 =	sadd.s32 s4, s8  }
0xa: {  	[tilespmem:s18], [sflag:$0x2] =	stream.linear.gather [hbm4b:s17+s7], $0x2000, $0x38;
	[tilespmem:$0x5180] =	vst v63  }
0xb: {  	s19 =	simm.s32 $0x4000;
	s20 =	simm.s32 $0x3  }
0xc: {  	[tilespmem:s19], [sflag:$0x3] =	stream.linear.gather [hbm4b:s5+s7], $0x80, $0x38;
	[tilespmem:$0x5180] =	vst v63  }
0xd: {  	_ =	swait.ge [sflag:s20], $0x80  }
0xe: {  	[sflag:s20] =	ssyncset.done $0x0  }
0xf: {  	s21 =	simm.s32 $0x4080;
	[sflag:s20] =	ssyncadd.s32 $0xFFFFFF80  }
0x10: {  	[tilespmem:s21], [sflag:$0x3] =	stream.linear.gather [hbm4b:s6+s7], $0x80, $0x38;
	[tilespmem:$0x5180] =	vst v63  }
0x11: {  	_ =	swait.ge [sflag:s20], $0x80  }
0x12: {  	[sflag:s20] =	ssyncset.done $0x0  }
0x13: {  	[sflag:s20] =	ssyncadd.s32 $0xFFFFFF80  }
0x14: {  	v0 =	vld [tilespmem:$0x4000]  }
0x15: {  	v1 =	vld [tilespmem:$0x4080];
	_ =	sdelay $0x4  }
0x16: {  	v0 =	vmul.f32 v1, v0;
	_ =	sdelay $0x1  }
0x17: {  	v0 =	vmul.f32 $1.442695020e+00, v0;
	_ =	sdelay $0x1  }
0x18: {  	(erf) = vpow2.f32 v0;
	_ =	sdelay $0x7  }
0x19: {  	v0 =	vmov s1  }
0x1a: {  	v1 =	vpop (erf)  }
0x1b: {  	v1 =	vmul.f32 $2.350442950e-09, v1;
	_ =	sdelay $0x1  }
0x1c: {  	s22 =	simm.s32 $0x4100;
	[tilespmem:$0x4100] =	vst v1  }
0x1d: {  	v0 =	vld.idx.msk [tilespmem:v0+s22+$0x0], $0xffff;
	_ =	sdelay $0x4  }
0x1e: {  	(erf) = vrcp.f32 v0;
	_ =	sdelay $0x8  }
0x1f: {  	s23 =	simm.s32 $0x1;
	v1 =	vpop (erf)  }
0x20: {  	_ =	swait.ge [sflag:s23], $0x2000  }
0x21: {  	[sflag:s23] =	ssyncset.done $0x0  }
0x22: {  	s24 =	simm.s32 $0x2;
	[sflag:s23] =	ssyncadd.s32 $0xFFFFE000  }
0x23: {  	s26 =	simm.s32 $0x0;
	s25 =	sand.u32 $0x60, s7;
	_ =	swait.ge [sflag:s24], $0x2000  }
0x24: {  	s4 =	sand.u32 $0xFFFFFE00, s26;
	s28 =	sor.u32 $0x10, s25;
	[sflag:s24] =	ssyncset.done $0x0  }
0x25: {  	s29 =	sor.u32 s4, s28;
	[sflag:s24] =	ssyncadd.s32 $0xFFFFE000  }
0x26: {  	v2 =	vld [tilespmem:s29+$0x0]  }
0x27: {  	v3 =	vld [tilespmem:s29+$0x2000]  }
0x28: {  	v4 =	vld [tilespmem:s29+$0x80]  }
0x29: {  	v5 =	vld [tilespmem:s29+$0x2080]  }
0x2a: {  	v6 =	vld [tilespmem:s29+$0x100]  }
0x2b: {  	s7 =	sor.u32 s25, s4;
	v7 =	vld [tilespmem:s29+$0x2100]  }
0x2c: {  	v8 =	vld [tilespmem:s7+$0x0]  }
0x2d: {  	v9 =	vld [tilespmem:s7+$0x2000]  }
0x2e: {  	s5 =	simm.s32 $0x20;
	v10 =	vld [tilespmem:s7+$0x80];
	v2 =	vsub.f32 v2, v3;
	v3 =	vsub.f32 v4, v5  }
0x2f: {  	s30 =	simm.s32 $0x80;
	s3 =	sand.u32 $0x60, s5;
	v11 =	vld [tilespmem:s7+$0x100]  }
0x30: {  	s9 =	sand.u32 $0xFFFFFE00, s30;
	s4 =	sor.u32 $0x10, s3;
	v5 =	vld [tilespmem:s7+$0x2080];
	v4 =	vsub.f32 v6, v7;
	v6 =	vmul.f32 v2, v2;
	v3 =	vmul.f32 v3, v3  }
0x31: {  	s10 =	sor.u32 s9, s4;
	v12 =	vld [tilespmem:s7+$0x2100]  }
0x32: {  	v2 =	vld [tilespmem:s10+$0x0];
	v7 =	vmul.f32 v4, v4;
	v6 =	vadd.f32 v3, v6  }
0x33: {  	v4 =	vld [tilespmem:s10+$0x80]  }
0x34: {  	v8 =	vsub.f32 v8, v9;
	v3 =	vld [tilespmem:s10+$0x2000];
	v13 =	vadd.f32 v7, v6  }
0x35: {  	s31 =	simm.s32 $0x0;
	v6 =	vsub.f32 v10, v5;
	v7 =	vld [tilespmem:s10+$0x2080]  }
0x36: {  	s11 =	sand.u32 $0x3FFFFF00, s31;
	v9 =	vmul.f32 v8, v8;
	v8 =	vld [tilespmem:s10+$0x2100];
	v10 =	vmul.f32 v13, v1  }
0x37: {  	s11 =	sadd.s32 $0x4180, s11;
	s7 =	sor.u32 s3, s9;
	v11 =	vsub.f32 v11, v12;
	v5 =	vld [tilespmem:s10+$0x100];
	v12 =	vmul.f32 v6, v6;
	vm0 =	vlt.f32 v13, v0  }
0x38: {  	s10 =	sor.u32 s28, s11;
	v6 =	vld [tilespmem:s7+$0x0];
	v14 =	vnsel vm0, $0x0, v10  }
0x39: {  	s8 =	sor.u32 s25, s11;
	s6 =	simm.s32 $0x2;
	s9 =	simm.s32 $0x2;
	v11 =	vmul.f32 v11, v11;
	v10 =	vadd.f32 v12, v9;
	v9 =	vld [tilespmem:s7+$0x2000];
	v12 =	vnsel vm0, $0x0, v13;
	[tilespmem:s10+$0x80] =	vst v14  }
.LBB2_1:
0x3a: {  	s9 =	sadd.s32 $0x2, s9;
	v13 =	vld [tilespmem:s7+$0x80];
	v2 =	vsub.f32 v2, v3;
	v3 =	vsub.f32 v4, v7;
	s5 =	sadd.s32 $0x20, s5;
	[tilespmem:s10+$0x0] =	vst v12  }
0x3b: {  	v4 =	vadd.f32 v11, v10;
	s11 =	sand.u32 $0x60, s5;
	s10 =	sshll.u32 s9, $0x6;
	v7 =	vld [tilespmem:s7+$0x2080]  }
0x3c: {  	s10 =	sand.u32 $0xFFFFFE00, s10;
	s12 =	sor.u32 $0x10, s11;
	v10 =	vld [tilespmem:s7+$0x100];
	v5 =	vsub.f32 v5, v8;
	v8 =	vmul.f32 v2, v2;
	v3 =	vmul.f32 v3, v3  }
0x3d: {  	p0 =	slt.u32 s9, $0x7E;
	vm0 =	vlt.f32 v4, v0;
	v12 =	vmul.f32 v4, v1;
	s13 =	sor.u32 s10, s12;
	v11 =	vld [tilespmem:s7+$0x2100];
	s7 =	sor.u32 s11, s10  }
0x3e: {  	v2 =	vld [tilespmem:s13+$0x0];
	v6 =	vsub.f32 v6, v9;
	v8 =	vadd.f32 v3, v8;
	v5 =	vmul.f32 v5, v5  }
0x3f: {  	v9 =	vnsel vm0, $0x0, v4;
	v12 =	vnsel vm0, $0x0, v12;
	v3 =	vld [tilespmem:s13+$0x2000]  }
0x40: {  	v4 =	vld [tilespmem:s13+$0x80];
	v13 =	vsub.f32 v13, v7;
	v14 =	vmul.f32 v6, v6;
	v15 =	vadd.f32 v5, v8;
	[tilespmem:s8+$0x80] =	vst v12  }
.Ltmp0:
0x41: {  	s10 =	sshll.u32 s6, $0x5;
	s6 =	smov.u32 s9;
	v7 =	vld [tilespmem:s13+$0x2080];
	[tilespmem:s8+$0x0] =	vst v9;
	(pc) =	sbr.rel @p0 .LBB2_1-.Ltmp0, $4  }
0x42: {  	s8 =	sand.u32 $0x3FFFFF00, s10;
	v5 =	vld [tilespmem:s13+$0x100];
	v9 =	vsub.f32 v10, v11;
	v10 =	vmul.f32 v13, v13;
	v12 =	vmul.f32 v15, v1  }
0x43: {  	s10 =	sadd.s32 $0x4180, s8;
	vm0 =	vlt.f32 v15, v0;
	v8 =	vld [tilespmem:s13+$0x2100]  }
0x44: {  	s8 =	sor.u32 s3, s10;
	s10 =	sor.u32 s4, s10;
	s3 =	smov.u32 s11;
	v6 =	vld [tilespmem:s7+$0x0];
	v10 =	vadd.f32 v10, v14;
	v11 =	vmul.f32 v9, v9;
	v13 =	vnsel vm0, $0x0, v12  }
0x45: {  	s4 =	smov.u32 s12;
	v12 =	vnsel vm0, $0x0, v15;
	v9 =	vld [tilespmem:s7+$0x2000];
	[tilespmem:s10+$0x80] =	vst v13  }
0x46: {  	v13 =	vld [tilespmem:s7+$0x80]  }
0x47: {  	v14 =	vld [tilespmem:s7+$0x2080]  }
0x48: {  	v15 =	vld [tilespmem:s7+$0x100]  }
0x49: {  	v2 =	vsub.f32 v2, v3;
	v49 =	vsub.f32 v4, v7;
	v50 =	vld [tilespmem:s7+$0x2100];
	_ =	sdelay $0x1  }
0x4a: {  	v5 =	vsub.f32 v5, v8;
	v2 =	vmul.f32 v2, v2;
	v3 =	vmul.f32 v49, v49  }
0x4b: {  	v6 =	vsub.f32 v6, v9;
	v51 =	vsub.f32 v13, v14  }
0x4c: {  	v52 =	vadd.f32 v11, v10;
	v2 =	vadd.f32 v3, v2;
	v53 =	vmul.f32 v5, v5  }
0x4d: {  	v4 =	vsub.f32 v15, v50;
	v54 =	vmul.f32 v6, v6;
	v55 =	vmul.f32 v51, v51  }
0x4e: {  	v56 =	vmul.f32 v52, v1;
	vm0 =	vlt.f32 v52, v0  }
0x4f: {  	s5 =	sshll.u32 s6, $0x5;
	v2 =	vadd.f32 v53, v2;
	v4 =	vmul.f32 v4, v4;
	v57 =	vadd.f32 v55, v54  }
0x50: {  	[tilespmem:s10+$0x0] =	vst v12;
	s5 =	sand.u32 $0x3FFFFF00, s5;
	v60 =	vnsel vm0, $0x0, v52;
	v58 =	vnsel vm0, $0x0, v56  }
0x51: {  	s5 =	sadd.s32 $0x4180, s5;
	[tilespmem:s8+$0x0] =	vst v60;
	v59 =	vmul.f32 v2, v1;
	vm14 =	vlt.f32 v2, v0;
	v3 =	vadd.f32 v4, v57  }
0x52: {  	s4 =	sor.u32 s4, s5;
	[tilespmem:s8+$0x80] =	vst v58;
	v2 =	vnsel vm14, $0x0, v2  }
0x53: {  	v61 =	vnsel vm14, $0x0, v59;
	[tilespmem:s4+$0x0] =	vst v2;
	v62 =	vmul.f32 v3, v1;
	vm15 =	vlt.f32 v3, v0  }
0x54: {  	s3 =	sor.u32 s3, s5;
	[tilespmem:s4+$0x80] =	vst v61;
	v63 =	vnsel vm15, $0x0, v3  }
0x55: {  	s28 =	sshll.u32 s1, $0x9;
	s29 =	simm.s32 $0x0;
	v0 =	vnsel vm15, $0x0, v62;
	[tilespmem:s3+$0x0] =	vst v63  }
0x56: {  	s30 =	simm.s32 $0x4180;
	s31 =	simm.s32 $0x3;
	s2 =	sadd.s32 s2, s28;
	[tilespmem:s3+$0x80] =	vst v0  }
0x57: {  	[hbm4b:s2+s29] =	stream.linear.scatter [tilespmem:s30], [sflag:$0x3], $0x1000, $0x38;
	[tilespmem:$0x5180] =	vst v63  }
0x58: {  	_ =	swait.ge [sflag:s31], $0x1000  }
0x59: {  	[sflag:s31] =	ssyncset.done $0x0  }
0x5a: {  	[sflag:s31] =	ssyncadd.s32 $0xFFFFF000  }
0x5b: {  	_ =	sfence.sel $0x180000  }
0x5c: {  	[bflag:$0x0] =	sbarrier.arrive $0xFFFF  }
0x5d: {  	p0 =	sne.s32 s1, $0x0;
	_ =	strace $0x90000047  }
0x5e: {  	s0 =	sadd.s32 @!p0 $0x100000, s0;
	[bflag:$0x2] =	sbarrier.arrive $0xFFFF  }
0x5f: {  	[sflag:s0] =	ssyncadd.tile.s32 @!p0 $0x1;
	_ =	shalt  }
.Lfunc_end2:
_tile_overlayer_lowered:
.L_overlay_start_2:
0x60: {  	(tag) =	ssettag $0x2  }
0x61: {  	s0 =	rddreg [dreg:$0x0];
	s2 =	stileid.u32  }
0x62: {  	s1 =	rddreg [dreg:$0x1];
	p0 =	sne.s32 s2, $0x0  }
0x63: {  	s3 =	rddreg [dreg:$0x2];
	[bflag:$0x3] =	sbarrier.arrive $0xFFFF;
	s2 =	simm.s32 @!p0 $0x1C03  }
0x64: {  	[timem:s3], [sflag:s2] =	dma.local @!p0 [hbm:s0], s1  }
0x65: {  	s0 =	simm.s32 @!p0 $0x3  }
0x66: {  	_ =	swait.ge @!p0 [sflag:s0], s1  }
0x67: {  	s1 =	ssub.s32 @!p0 $0x0, s1;
	[sflag:s0] =	ssyncset.done @!p0 $0x0  }
0x68: {  	[sflag:s0] =	ssyncadd.s32 @!p0 s1  }
0x69: {  	[bflag:$0x3] =	sbarrier.arrive $0xFFFF  }
0x6a: {  	_ =	shalt  }

</sc_bundles>
